<compile_context>
chip_gen: v7x
topology: tpu7x:2x2x1
jax: 0.10.2.dev20260603
libtpu: 0.0.44.dev20260713+nightly
codegen_flags: <defaults>
</compile_context>

<pallas_src>
import jax
import jax.numpy as jnp
from jax import lax
from jax.experimental import pallas as pl
from jax.experimental.pallas import tpu as pltpu
from jax.experimental.pallas import tpu_sc as plsc

_MAX_LENGTH = 2048
_BOS = 49406
_EOS = 49407
_PAD = 49407
_B = 16
_TOTAL = 16384

_HALF = _MAX_LENGTH
_WIN = _HALF + 16
_WALLOC = 4128


def _body(flat_hbm, cu_hbm, ids_hbm, mask_hbm,
          win_v, cu_v, outi_v, outm_v, sem_w, sem_m):
    row = lax.axis_index("s")
    p0 = lax.axis_index("c") * _HALF

    pltpu.sync_copy(cu_hbm, cu_v.at[pl.ds(0, _B + 1)])
    cu_vec = cu_v[pl.ds(row, 16)]
    start = cu_vec[0]
    end = cu_vec[1]
    seg = jnp.minimum(end - start, _MAX_LENGTH - 2)

    aa = start + p0 - 1
    aa0 = jnp.maximum(aa, 0)
    r0 = jnp.minimum(aa0 // 16, (_TOTAL - _WIN) // 16) * 16
    off = aa - r0 + 16
    wcopy = pltpu.async_copy(
        flat_hbm.at[pl.ds(r0, _WIN)], win_v.at[pl.ds(16, _WIN)], sem_w)

    lane = lax.iota(jnp.int32, 16)
    one = jnp.int32(1)
    zero = jnp.int32(0)

    @plsc.parallel_loop(0, _HALF, step=16, unroll=4)
    def _mask_loop(i):
        p = p0 + i + lane
        outm_v[pl.ds(i, 16)] = jnp.maximum(
            jnp.minimum(seg + 2 - p, one), zero)

    mcopy = pltpu.async_copy(
        outm_v, mask_hbm.at[row, pl.ds(p0, _HALF)], sem_m)
    wcopy.wait()

    def frame(p, g):
        inb = jnp.maximum(
            jnp.minimum(jnp.minimum(p, seg + 1 - p), one), zero)
        a = jnp.minimum(p, one)
        return inb * (g - _PAD) + (a + (_PAD - 1))

    @plsc.parallel_loop(0, _HALF, step=16, unroll=4)
    def _ids_loop(i):
        p = p0 + i + lane
        g = win_v[pl.ds(off + i, 16)]
        outi_v[pl.ds(i, 16)] = frame(p, g)

    pltpu.sync_copy(outi_v, ids_hbm.at[row, pl.ds(p0, _HALF)])
    mcopy.wait()


@jax.jit
def kernel(flat_tokens, cu_seqlens):
    mesh = plsc.VectorSubcoreMesh(
        core_axis_name="c", subcore_axis_name="s", num_cores=1, num_subcores=16)
    run = pl.kernel(
        _body,
        out_type=(
            jax.ShapeDtypeStruct((_B, _MAX_LENGTH), jnp.int32),
            jax.ShapeDtypeStruct((_B, _MAX_LENGTH), jnp.int32),
        ),
        mesh=mesh,
        scratch_types=[
            pltpu.VMEM((_WALLOC,), jnp.int32),
            pltpu.VMEM((32,), jnp.int32),
            pltpu.VMEM((_HALF,), jnp.int32),
            pltpu.VMEM((_HALF,), jnp.int32),
            pltpu.SemaphoreType.DMA,
            pltpu.SemaphoreType.DMA,
        ],
    )
    input_ids, attention_mask = run(flat_tokens, cu_seqlens)
    return input_ids, attention_mask

# --- scband reference (transcript-rebuilt; emitter-appended) ---
"""Pipeline reference for scband-tfcliptokenizer-23063974379716 (READ-ONLY COPY).

The authoritative reference and input builder live on the scoring server;
editing this copy changes nothing except your own understanding.
"""

import jax, jax.numpy as jnp
import numpy as np

MAX_LENGTH = 2048
BOS = 49406
EOS = 49407
PAD = 49407
B = 16
TOTAL = 16384


def setup_inputs(seed: int = 0) -> dict:
    key = jax.random.key(seed)
    k1, k2 = jax.random.split(key)
    # flat ragged stream of already-BPE'd token ids (strings -> ids is not expressible in jnp)
    flat_tokens = jax.random.randint(k1, (TOTAL,), 0, 49406, dtype=jnp.int32)
    inner = jnp.sort(jax.random.randint(k2, (B - 1,), 0, TOTAL, dtype=jnp.int32))
    cu_seqlens = jnp.concatenate([
        jnp.zeros((1,), jnp.int32), inner, jnp.full((1,), TOTAL, jnp.int32)
    ])
    return {"flat_tokens": flat_tokens, "cu_seqlens": cu_seqlens}


def reference(flat_tokens, cu_seqlens):
    # Numeric analog of TFCLIPTokenizer.call: take the ragged per-example token
    # streams (flat values + row splits), truncate each row to max_length-2,
    # prepend BOS, append EOS, densify (RaggedTensor.to_tensor) to
    # [B, max_length] with PAD, and emit the attention mask.
    L = MAX_LENGTH
    starts = cu_seqlens[:-1]
    seq_lens = cu_seqlens[1:] - cu_seqlens[:-1]
    lens = jnp.minimum(seq_lens, L - 2)  # truncation to fit bos/eos
    pos = jnp.arange(L)[None, :]
    lensb = lens[:, None]
    # ragged gather of each row's tokens into the padded grid (shifted by 1 for BOS)
    tok_idx = jnp.clip(starts[:, None] + pos - 1, 0, flat_tokens.shape[0] - 1)
    gathered = jnp.take(flat_tokens, tok_idx, axis=0)
    input_ids = jnp.where(
        pos == 0,
        BOS,
        jnp.where(pos - 1 < lensb, gathered,
                  jnp.where(pos - 1 == lensb, EOS, PAD)),
    ).astype(jnp.int32)
    attention_mask = (pos <= lensb + 1).astype(jnp.int32)
    return input_ids, attention_mask

if __name__ == "__main__":
    import jax
    _d = setup_inputs()
    print(jax.jit(kernel)(*tuple(_d.values())))

</pallas_src>

<mosaic_0001>
#map = affine_map<(d0, d1) -> (0)>
#map1 = affine_map<(d0, d1) -> (0, 0)>
module attributes {stable_mosaic.version = 14 : i64} {
  func.func @_body(%arg0: i32, %arg1: i32, %arg2: memref<16384xi32, #tpu.memory_space<hbm>>, %arg3: memref<17xi32, #tpu.memory_space<hbm>>, %arg4: memref<16x2048xi32, #tpu.memory_space<hbm>>, %arg5: memref<16x2048xi32, #tpu.memory_space<hbm>>, %arg6: memref<4128xi32, #tpu.memory_space<vmem>>, %arg7: memref<32xi32, #tpu.memory_space<vmem>>, %arg8: memref<2048xi32, #tpu.memory_space<vmem>>, %arg9: memref<2048xi32, #tpu.memory_space<vmem>>, %arg10: memref<!tpu.dma_semaphore, #tpu.memory_space<semaphore_mem>>, %arg11: memref<!tpu.dma_semaphore, #tpu.memory_space<semaphore_mem>>) attributes {dimension_semantics = [#tpu.dimension_semantics<core_parallel>, #tpu.dimension_semantics<subcore_parallel>], iteration_bounds = array<i64: 1, 16>, scalar_prefetch = 0 : i64, scratch_operands = 6 : i64, tpu.core_type = #tpu.core_type<sc_vector_subcore>, window_params = [{transform_indices = #map}, {transform_indices = #map}, {transform_indices = #map1}, {transform_indices = #map1}]} {
    %mul3A = arith.constant 2048 : i32
    %mul3A_0 = arith.muli %arg0, %mul3A : i32
    "tpu.region"() ({
      %run_scoped3A = tpu.sem_alloc : memref<!tpu.dma_semaphore, #tpu.memory_space<semaphore_mem>>
      %dma_start3A_60 = arith.constant 0 : i32
      %dma_start3A_61 = tpu.memref_slice %arg7[%dma_start3A_60] : memref<32xi32, #tpu.memory_space<vmem>> -> memref<17xi32, #tpu.memory_space<vmem>>
      %dma_start3A_62 = arith.constant 0 : i32
      %dma_start3A_63 = tpu.memref_slice %arg7[%dma_start3A_62] : memref<32xi32, #tpu.memory_space<vmem>> -> memref<17xi32, #tpu.memory_space<vmem>>
      tpu.enqueue_dma source(%arg3 : memref<17xi32, #tpu.memory_space<hbm>>) target(%dma_start3A_63 : memref<17xi32, #tpu.memory_space<vmem>>) target_semaphore(%run_scoped3A : memref<!tpu.dma_semaphore, #tpu.memory_space<semaphore_mem>>)
      %dma_wait3A_64 = arith.constant 0 : i32
      %dma_wait3A_65 = tpu.memref_slice %arg7[%dma_wait3A_64] : memref<32xi32, #tpu.memory_space<vmem>> -> memref<17xi32, #tpu.memory_space<vmem>>
      %dma_wait3A_66 = arith.constant 0 : i32
      %dma_wait3A_67 = tpu.memref_slice %arg7[%dma_wait3A_66] : memref<32xi32, #tpu.memory_space<vmem>> -> memref<17xi32, #tpu.memory_space<vmem>>
      tpu.wait_dma2 semaphore(%run_scoped3A : memref<!tpu.dma_semaphore, #tpu.memory_space<semaphore_mem>>) src(%arg3 : memref<17xi32, #tpu.memory_space<hbm>>) dst(%dma_wait3A_67 : memref<17xi32, #tpu.memory_space<vmem>>)
      tpu.yield
    }) : () -> ()
    %get3A = arith.index_cast %arg1 : i32 to index
    %get3A_1 = tpu.vector_load %arg7[%get3A] {strides = array<i32>} : memref<32xi32, #tpu.memory_space<vmem>>, vector<16xi32>,
    %get3A_2 = vector.shape_cast %get3A_1 : vector<16xi32> to vector<16xi32>
    %slice3A = vector.extract_strided_slice %get3A_2 {offsets = [0], sizes = [1], strides = [1]} : vector<16xi32> to vector<1xi32>
    %squeeze3A = vector.extract %slice3A[0] : i32 from vector<1xi32>
    %slice3A_3 = vector.extract_strided_slice %get3A_2 {offsets = [1], sizes = [1], strides = [1]} : vector<16xi32> to vector<1xi32>
    %squeeze3A_4 = vector.extract %slice3A_3[0] : i32 from vector<1xi32>
    %sub3A = arith.subi %squeeze3A_4, %squeeze3A : i32
    %min3A = arith.constant 2046 : i32
    %min3A_5 = arith.minsi %sub3A, %min3A : i32
    %add3A = arith.addi %squeeze3A, %mul3A_0 : i32
    %sub3A_6 = arith.constant 1 : i32
    %sub3A_7 = arith.subi %add3A, %sub3A_6 : i32
    %max3A = arith.constant 0 : i32
    %max3A_8 = arith.maxsi %sub3A_7, %max3A : i32
    %jit3A = arith.constant 16 : i32
    %div3A = arith.divsi %max3A_8, %jit3A : i32
    %sign3A = arith.constant 0 : i32
    %sign3A_9 = arith.cmpi sgt, %max3A_8, %sign3A : i32
    %sign3A_10 = arith.extui %sign3A_9 : i1 to i32
    %sign3A_11 = arith.constant 0 : i32
    %sign3A_12 = arith.cmpi slt, %max3A_8, %sign3A_11 : i32
    %sign3A_13 = arith.extui %sign3A_12 : i1 to i32
    %sign3A_14 = arith.subi %sign3A_10, %sign3A_13 : i32
    %sign3A_15 = arith.constant 0 : i32
    %sign3A_16 = arith.cmpi sgt, %jit3A, %sign3A_15 : i32
    %sign3A_17 = arith.extui %sign3A_16 : i1 to i32
    %sign3A_18 = arith.constant 0 : i32
    %sign3A_19 = arith.cmpi slt, %jit3A, %sign3A_18 : i32
    %sign3A_20 = arith.extui %sign3A_19 : i1 to i32
    %sign3A_21 = arith.subi %sign3A_17, %sign3A_20 : i32
    %ne3A = arith.cmpi ne, %sign3A_14, %sign3A_21 : i32
    %rem3A = arith.remsi %max3A_8, %jit3A : i32
    %ne3A_22 = arith.constant 0 : i32
    %ne3A_23 = arith.cmpi ne, %rem3A, %ne3A_22 : i32
    %and3A = arith.andi %ne3A, %ne3A_23 : i1
    %sub3A_24 = arith.constant 1 : i32
    %sub3A_25 = arith.subi %div3A, %sub3A_24 : i32
    %select_n3A = arith.select %and3A, %sub3A_25, %div3A : i32
    %min3A_26 = arith.constant 895 : i32
    %min3A_27 = arith.minsi %select_n3A, %min3A_26 : i32
    %mul3A_28 = arith.constant 16 : i32
    %mul3A_29 = arith.muli %min3A_27, %mul3A_28 : i32
    %sub3A_30 = arith.subi %sub3A_7, %mul3A_29 : i32
    %add3A_31 = arith.constant 16 : i32
    %add3A_32 = arith.addi %sub3A_30, %add3A_31 : i32
    %dma_start3A = arith.constant 16 : i32
    %dma_start3A_33 = tpu.memref_slice %arg6[%dma_start3A] : memref<4128xi32, #tpu.memory_space<vmem>> -> memref<2064xi32, #tpu.memory_space<vmem>>
    %dma_start3A_34 = tpu.memref_slice %arg2[%mul3A_29] : memref<16384xi32, #tpu.memory_space<hbm>> -> memref<2064xi32, #tpu.memory_space<hbm>>
    %dma_start3A_35 = arith.constant 16 : i32
    %dma_start3A_36 = tpu.memref_slice %arg6[%dma_start3A_35] : memref<4128xi32, #tpu.memory_space<vmem>> -> memref<2064xi32, #tpu.memory_space<vmem>>
    %dma_start3A_37 = tpu.memref_slice %arg2[%mul3A_29] : memref<16384xi32, #tpu.memory_space<hbm>> -> memref<2064xi32, #tpu.memory_space<hbm>>
    tpu.enqueue_dma source(%dma_start3A_37 : memref<2064xi32, #tpu.memory_space<hbm>>) target(%dma_start3A_36 : memref<2064xi32, #tpu.memory_space<vmem>>) target_semaphore(%arg10 : memref<!tpu.dma_semaphore, #tpu.memory_space<semaphore_mem>>)
    %iota3A = tpu.iota {dimensions = array<i32: 0>} : vector<16xi32>
    %parallel_loop3A = arith.constant 0 : i32
    %parallel_loop3A_38 = arith.constant 2048 : i32
    %parallel_loop3A_39 = arith.constant 16 : i32
    %parallel_loop3A_40 = arith.constant 1 : i32
    %parallel_loop3A_41 = arith.constant 0 : i32
    scf.for %parallel_loop3A_60 = %parallel_loop3A to %parallel_loop3A_38 step %parallel_loop3A_39  : i32 {
      %parallel_loop3A_61 = arith.addi %mul3A_0, %parallel_loop3A_60 : i32
      %parallel_loop3A_62 = vector.broadcast %parallel_loop3A_61 : i32 to vector<16xi32>
      %parallel_loop3A_63 = arith.addi %parallel_loop3A_62, %iota3A : vector<16xi32>
      %parallel_loop3A_64 = arith.constant 2 : i32
      %parallel_loop3A_65 = arith.addi %min3A_5, %parallel_loop3A_64 : i32
      %parallel_loop3A_66 = vector.broadcast %parallel_loop3A_65 : i32 to vector<16xi32>
      %parallel_loop3A_67 = arith.subi %parallel_loop3A_66, %parallel_loop3A_63 : vector<16xi32>
      %parallel_loop3A_68 = vector.broadcast %parallel_loop3A_40 : i32 to vector<16xi32>
      %parallel_loop3A_69 = arith.minsi %parallel_loop3A_67, %parallel_loop3A_68 : vector<16xi32>
      %parallel_loop3A_70 = vector.broadcast %parallel_loop3A_41 : i32 to vector<16xi32>
      %parallel_loop3A_71 = arith.maxsi %parallel_loop3A_69, %parallel_loop3A_70 : vector<16xi32>
      %parallel_loop3A_72 = arith.index_cast %parallel_loop3A_60 : i32 to index
      %parallel_loop3A_73 = tpu.vector_load %arg9[%parallel_loop3A_72] {strides = array<i32>} : memref<2048xi32, #tpu.memory_space<vmem>>, vector<16xi32>,
      %parallel_loop3A_74 = vector.shape_cast %parallel_loop3A_73 : vector<16xi32> to vector<16xi32>
      %parallel_loop3A_75 = vector.shape_cast %parallel_loop3A_71 : vector<16xi32> to vector<16xi32>
      tpu.vector_store %arg9[%parallel_loop3A_72], %parallel_loop3A_75 {strides = array<i32>} : memref<2048xi32, #tpu.memory_space<vmem>>, vector<16xi32>,
    } {sc.loop_unroll_factor = 4 : i64, sc.parallel_access}
    %dma_start3A_42 = tpu.memref_slice %arg5[%arg1, %mul3A_0] : memref<16x2048xi32, #tpu.memory_space<hbm>> -> memref<1x2048xi32, #tpu.memory_space<hbm>>
    %dma_start3A_43 = tpu.memref_squeeze %dma_start3A_42 : memref<1x2048xi32, #tpu.memory_space<hbm>> -> memref<2048xi32, #tpu.memory_space<hbm>>
    %dma_start3A_44 = tpu.memref_slice %arg5[%arg1, %mul3A_0] : memref<16x2048xi32, #tpu.memory_space<hbm>> -> memref<1x2048xi32, #tpu.memory_space<hbm>>
    %dma_start3A_45 = tpu.memref_squeeze %dma_start3A_44 : memref<1x2048xi32, #tpu.memory_space<hbm>> -> memref<2048xi32, #tpu.memory_space<hbm>>
    tpu.enqueue_dma source(%arg9 : memref<2048xi32, #tpu.memory_space<vmem>>) target(%dma_start3A_45 : memref<2048xi32, #tpu.memory_space<hbm>>) target_semaphore(%arg11 : memref<!tpu.dma_semaphore, #tpu.memory_space<semaphore_mem>>)
    %dma_wait3A = arith.constant 16 : i32
    %dma_wait3A_46 = tpu.memref_slice %arg6[%dma_wait3A] : memref<4128xi32, #tpu.memory_space<vmem>> -> memref<2064xi32, #tpu.memory_space<vmem>>
    %dma_wait3A_47 = tpu.memref_slice %arg2[%mul3A_29] : memref<16384xi32, #tpu.memory_space<hbm>> -> memref<2064xi32, #tpu.memory_space<hbm>>
    %dma_wait3A_48 = arith.constant 16 : i32
    %dma_wait3A_49 = tpu.memref_slice %arg6[%dma_wait3A_48] : memref<4128xi32, #tpu.memory_space<vmem>> -> memref<2064xi32, #tpu.memory_space<vmem>>
    %dma_wait3A_50 = tpu.memref_slice %arg2[%mul3A_29] : memref<16384xi32, #tpu.memory_space<hbm>> -> memref<2064xi32, #tpu.memory_space<hbm>>
    tpu.wait_dma2 semaphore(%arg10 : memref<!tpu.dma_semaphore, #tpu.memory_space<semaphore_mem>>) src(%dma_wait3A_50 : memref<2064xi32, #tpu.memory_space<hbm>>) dst(%dma_wait3A_49 : memref<2064xi32, #tpu.memory_space<vmem>>)
    %parallel_loop3A_51 = arith.constant 0 : i32
    %parallel_loop3A_52 = arith.constant 2048 : i32
    %parallel_loop3A_53 = arith.constant 16 : i32
    %parallel_loop3A_54 = arith.constant 1 : i32
    %parallel_loop3A_55 = arith.constant 0 : i32
    scf.for %parallel_loop3A_60 = %parallel_loop3A_51 to %parallel_loop3A_52 step %parallel_loop3A_53  : i32 {
      %parallel_loop3A_61 = arith.addi %mul3A_0, %parallel_loop3A_60 : i32
      %parallel_loop3A_62 = vector.broadcast %parallel_loop3A_61 : i32 to vector<16xi32>
      %parallel_loop3A_63 = arith.addi %parallel_loop3A_62, %iota3A : vector<16xi32>
      %parallel_loop3A_64 = arith.addi %add3A_32, %parallel_loop3A_60 : i32
      %parallel_loop3A_65 = arith.index_cast %parallel_loop3A_64 : i32 to index
      %parallel_loop3A_66 = tpu.vector_load %arg6[%parallel_loop3A_65] {strides = array<i32>} : memref<4128xi32, #tpu.memory_space<vmem>>, vector<16xi32>,
      %parallel_loop3A_67 = vector.shape_cast %parallel_loop3A_66 : vector<16xi32> to vector<16xi32>
      %parallel_loop3A_68 = arith.constant 1 : i32
      %parallel_loop3A_69 = arith.addi %min3A_5, %parallel_loop3A_68 : i32
      %parallel_loop3A_70 = vector.broadcast %parallel_loop3A_69 : i32 to vector<16xi32>
      %parallel_loop3A_71 = arith.subi %parallel_loop3A_70, %parallel_loop3A_63 : vector<16xi32>
      %parallel_loop3A_72 = arith.minsi %parallel_loop3A_63, %parallel_loop3A_71 : vector<16xi32>
      %parallel_loop3A_73 = vector.broadcast %parallel_loop3A_54 : i32 to vector<16xi32>
      %parallel_loop3A_74 = arith.minsi %parallel_loop3A_72, %parallel_loop3A_73 : vector<16xi32>
      %parallel_loop3A_75 = vector.broadcast %parallel_loop3A_55 : i32 to vector<16xi32>
      %parallel_loop3A_76 = arith.maxsi %parallel_loop3A_74, %parallel_loop3A_75 : vector<16xi32>
      %parallel_loop3A_77 = vector.broadcast %parallel_loop3A_54 : i32 to vector<16xi32>
      %parallel_loop3A_78 = arith.minsi %parallel_loop3A_63, %parallel_loop3A_77 : vector<16xi32>
      %parallel_loop3A_79 = arith.constant 49407 : i32
      %parallel_loop3A_80 = vector.broadcast %parallel_loop3A_79 : i32 to vector<16xi32>
      %parallel_loop3A_81 = arith.subi %parallel_loop3A_67, %parallel_loop3A_80 : vector<16xi32>
      %parallel_loop3A_82 = arith.muli %parallel_loop3A_76, %parallel_loop3A_81 : vector<16xi32>
      %parallel_loop3A_83 = arith.constant 49406 : i32
      %parallel_loop3A_84 = vector.broadcast %parallel_loop3A_83 : i32 to vector<16xi32>
      %parallel_loop3A_85 = arith.addi %parallel_loop3A_78, %parallel_loop3A_84 : vector<16xi32>
      %parallel_loop3A_86 = arith.addi %parallel_loop3A_82, %parallel_loop3A_85 : vector<16xi32>
      %parallel_loop3A_87 = arith.index_cast %parallel_loop3A_60 : i32 to index
      %parallel_loop3A_88 = tpu.vector_load %arg8[%parallel_loop3A_87] {strides = array<i32>} : memref<2048xi32, #tpu.memory_space<vmem>>, vector<16xi32>,
      %parallel_loop3A_89 = vector.shape_cast %parallel_loop3A_88 : vector<16xi32> to vector<16xi32>
      %parallel_loop3A_90 = vector.shape_cast %parallel_loop3A_86 : vector<16xi32> to vector<16xi32>
      tpu.vector_store %arg8[%parallel_loop3A_87], %parallel_loop3A_90 {strides = array<i32>} : memref<2048xi32, #tpu.memory_space<vmem>>, vector<16xi32>,
    } {sc.loop_unroll_factor = 4 : i64, sc.parallel_access}
    "tpu.region"() ({
      %run_scoped3A = tpu.sem_alloc : memref<!tpu.dma_semaphore, #tpu.memory_space<semaphore_mem>>
      %dma_start3A_60 = tpu.memref_slice %arg4[%arg1, %mul3A_0] : memref<16x2048xi32, #tpu.memory_space<hbm>> -> memref<1x2048xi32, #tpu.memory_space<hbm>>
      %dma_start3A_61 = tpu.memref_squeeze %dma_start3A_60 : memref<1x2048xi32, #tpu.memory_space<hbm>> -> memref<2048xi32, #tpu.memory_space<hbm>>
      %dma_start3A_62 = tpu.memref_slice %arg4[%arg1, %mul3A_0] : memref<16x2048xi32, #tpu.memory_space<hbm>> -> memref<1x2048xi32, #tpu.memory_space<hbm>>
      %dma_start3A_63 = tpu.memref_squeeze %dma_start3A_62 : memref<1x2048xi32, #tpu.memory_space<hbm>> -> memref<2048xi32, #tpu.memory_space<hbm>>
      tpu.enqueue_dma source(%arg8 : memref<2048xi32, #tpu.memory_space<vmem>>) target(%dma_start3A_63 : memref<2048xi32, #tpu.memory_space<hbm>>) target_semaphore(%run_scoped3A : memref<!tpu.dma_semaphore, #tpu.memory_space<semaphore_mem>>)
      %dma_wait3A_64 = tpu.memref_slice %arg4[%arg1, %mul3A_0] : memref<16x2048xi32, #tpu.memory_space<hbm>> -> memref<1x2048xi32, #tpu.memory_space<hbm>>
      %dma_wait3A_65 = tpu.memref_squeeze %dma_wait3A_64 : memref<1x2048xi32, #tpu.memory_space<hbm>> -> memref<2048xi32, #tpu.memory_space<hbm>>
      %dma_wait3A_66 = tpu.memref_slice %arg4[%arg1, %mul3A_0] : memref<16x2048xi32, #tpu.memory_space<hbm>> -> memref<1x2048xi32, #tpu.memory_space<hbm>>
      %dma_wait3A_67 = tpu.memref_squeeze %dma_wait3A_66 : memref<1x2048xi32, #tpu.memory_space<hbm>> -> memref<2048xi32, #tpu.memory_space<hbm>>
      tpu.wait_dma2 semaphore(%run_scoped3A : memref<!tpu.dma_semaphore, #tpu.memory_space<semaphore_mem>>) src(%arg8 : memref<2048xi32, #tpu.memory_space<vmem>>) dst(%dma_wait3A_67 : memref<2048xi32, #tpu.memory_space<hbm>>)
      tpu.yield
    }) : () -> ()
    %dma_wait3A_56 = tpu.memref_slice %arg5[%arg1, %mul3A_0] : memref<16x2048xi32, #tpu.memory_space<hbm>> -> memref<1x2048xi32, #tpu.memory_space<hbm>>
    %dma_wait3A_57 = tpu.memref_squeeze %dma_wait3A_56 : memref<1x2048xi32, #tpu.memory_space<hbm>> -> memref<2048xi32, #tpu.memory_space<hbm>>
    %dma_wait3A_58 = tpu.memref_slice %arg5[%arg1, %mul3A_0] : memref<16x2048xi32, #tpu.memory_space<hbm>> -> memref<1x2048xi32, #tpu.memory_space<hbm>>
    %dma_wait3A_59 = tpu.memref_squeeze %dma_wait3A_58 : memref<1x2048xi32, #tpu.memory_space<hbm>> -> memref<2048xi32, #tpu.memory_space<hbm>>
    tpu.wait_dma2 semaphore(%arg11 : memref<!tpu.dma_semaphore, #tpu.memory_space<semaphore_mem>>) src(%arg9 : memref<2048xi32, #tpu.memory_space<vmem>>) dst(%dma_wait3A_59 : memref<2048xi32, #tpu.memory_space<hbm>>)
    return
  }
}

</mosaic_0001>

<sc_bundles>
// kernel: kernel.3.cloned.1.call-start
scs
__scs_entry_jumppad:
0x0: {  	(pc) =	sbr.rel $0x88, $3  }
0x1: {  	(tag) =	ssettag $0x0;
	lr =	simm.s32 $0x1  }
0x2: {  	[smem:$0x3F9F] =	sst lr;
	_ =	strace $0xD0000000  }
0x3: {  	_ = 	snop  }
0x4: {  	_ = 	snop  }
0x5: {  	_ = 	snop  }
0x6: {  	_ = 	snop  }
0x7: {  	_ = 	snop  }
__scs_overlays_trampoline_lowered:
0x8: {  	[smem:$0x3FAE] =	sst s0  }
0x9: {  	[smem:$0x3FAF] =	sst s1  }
0xa: {  	[smem:$0x3FB0] =	sst s2  }
0xb: {  	[smem:$0x3FB1] =	sst s3  }
0xc: {  	[smem:$0x3FB2] =	sst s4  }
0xd: {  	[smem:$0x3FB3] =	sst s5  }
0xe: {  	[smem:$0x3FB4] =	sst s6  }
0xf: {  	[smem:$0x3FB5] =	sst s7  }
0x10: {  	[smem:$0x3FB6] =	sst s8  }
0x11: {  	[smem:$0x3FB7] =	sst s9;
	s0 =	simm.s32 @!p0 $0x0  }
0x12: {  	s1 =	sld [smem:$0x3F9D];
	s0 =	simm.s32 @p0 $0x1  }
0x13: {  	[smem:$0x3FB8] =	sst s0;
	s0 =	simm.s32 @!p1 $0x0  }
0x14: {  	s2 =	sld [smem:$0x3F9C];
	s0 =	simm.s32 @p1 $0x1  }
0x15: {  	[smem:$0x3FB9] =	sst s0;
	s0 =	simm.s32 @!p2 $0x0  }
0x16: {  	s3 =	sld [smem:$0x3FDB];
	s0 =	simm.s32 @p2 $0x1  }
0x17: {  	s4 =	simm.s32 $0x1BF5;
	[smem:$0x3FBB] =	sst s0  }
0x18: {  	s0 =	sld [smem:$0x3F9E];
	_ =	swait.ge [sflag:s4], $0x0  }
0x19: {  	s7 =	sld [smem:$0x3F9F]  }
0x1a: {  	s8 =	sadd.s32 $0xFFFFE003, lr  }
0x1b: {  	s9 =	sadd.s32 $0xFFFFFEF7, lr;
	s5 =	simm.s32 $0xFFFFFFFF;
	p2 =	slt.u32 s8, $0xFFFFF086  }
0x1c: {  	p1 =	slt.u32 s9, $0xF7A;
	s5 =	simm.s32 @!p2 $0x0  }
0x1d: {  	s5 =	simm.s32 @p1 $0x1;
	p0 =	seq.s32 s7, s2  }
0x1e: {  	s7 =	smul.u32 @!p0 $0xF7A, s2;
	p2 =	seq.s32 @!p0 s5, $0x0  }
0x1f: {  	s9 =	smul.u32 $0xF7A, s1;
	s8 =	simm.s32 @!p0 $0x1BF5;
	p2 =	por !p2, p0  }
0x20: {  	[sflag:s8] =	ssyncset.s32 @!p0 $0xFFFFF086;
	s6 =	sadd.s32 @!p0 s3, s7;
	s7 =	simm.s32 @!p0 $0x108  }
0x21: {  	s3 =	sadd.s32 s3, s9;
	s6 =	sadd.s32 @!p0 $0x88, s6;
	s7 =	simm.s32 @p2 $0x1082  }
0x22: {  	[simem:s7], [sflag:s8] =	dma.local @!p0 [hbm:s6], $0xF7A  }
0x23: {  	s9 =	sor.u32 $0xD0000000, s2;
	s6 =	simm.s32 $0x108;
	_ =	swait.ge @!p0 [sflag:s8], $0x0  }
0x24: {  	s3 =	sadd.s32 $0x88, s3;
	s6 =	simm.s32 @!p1 $0x1082;
	[sflag:s4] =	ssyncset.s32 $0xFFFFF086  }
0x25: {  	[simem:s6], [sflag:s4] =	dma.local [hbm:s3], $0xF7A  }
0x26: {  	[smem:$0x3F9F] =	sst s1;
	(tag) =	ssettag s2;
	_ =	strace s9  }
0x27: {  	s1 =	sld [smem:$0x3FAF]  }
0x28: {  	s2 =	sld [smem:$0x3FB0]  }
0x29: {  	s4 =	sld [smem:$0x3FB2]  }
0x2a: {  	p0 =	seq.s32 s5, $0x0;
	s5 =	sld [smem:$0x3FB3]  }
0x2b: {  	s6 =	sld [smem:$0x3FB4]  }
0x2c: {  	s7 =	sld [smem:$0x3FB5]  }
0x2d: {  	s3 =	simm.s32 $0x108;
	s8 =	sld [smem:$0x3FB6]  }
0x2e: {  	s3 =	simm.s32 @!p0 $0x1082;
	s9 =	sld [smem:$0x3FB7]  }
0x2f: {  	lr =	sadd.s32 s0, s3;
	s0 =	sld [smem:$0x3FAE]  }
0x30: {  	s3 =	sld [smem:$0x3FB1]  }
0x31: {  	[smem:$0x3FBA] =	sst s10  }
0x32: {  	s10 =	sld [smem:$0x3FB8];
	_ =	sdelay $0x3  }
0x33: {  	p0 =	seq.s32 s10, $0x1;
	s10 =	sld [smem:$0x3FBA];
	_ =	sdelay $0x3  }
0x34: {  	[smem:$0x3FBA] =	sst s10  }
0x35: {  	s10 =	sld [smem:$0x3FB9];
	_ =	sdelay $0x3  }
0x36: {  	p1 =	seq.s32 s10, $0x1;
	s10 =	sld [smem:$0x3FBA];
	_ =	sdelay $0x3  }
0x37: {  	[smem:$0x3FBA] =	sst s10  }
0x38: {  	s10 =	sld [smem:$0x3FBB]  }
0x39: {  	_ = 	snop;
	(pc) =	sbr.ind lr, $3  }
0x3a: {  	_ = 	snop  }
0x3b: {  	_ = 	snop  }
0x3c: {  	p2 =	seq.s32 s10, $0x1;
	s10 =	sld [smem:$0x3FBA]  }
0x3d: {  	_ =	shalt  }
0x3e: {  	_ =	shalt  }
0x3f: {  	_ =	shalt  }
0x40: {  	_ =	shalt  }
0x41: {  	_ =	shalt  }
0x42: {  	_ =	shalt  }
0x43: {  	_ =	shalt  }
0x44: {  	_ =	shalt  }
0x45: {  	_ =	shalt  }
0x46: {  	_ =	shalt  }
0x47: {  	_ =	shalt  }
0x48: {  	_ =	shalt  }
0x49: {  	_ =	shalt  }
0x4a: {  	_ =	shalt  }
0x4b: {  	_ =	shalt  }
0x4c: {  	_ =	shalt  }
0x4d: {  	_ =	shalt  }
0x4e: {  	_ =	shalt  }
0x4f: {  	_ =	shalt  }
0x50: {  	_ =	shalt  }
0x51: {  	_ =	shalt  }
0x52: {  	_ =	shalt  }
0x53: {  	_ =	shalt  }
0x54: {  	_ =	shalt  }
0x55: {  	_ =	shalt  }
0x56: {  	_ =	shalt  }
0x57: {  	_ =	shalt  }
0x58: {  	_ =	shalt  }
0x59: {  	_ =	shalt  }
0x5a: {  	_ =	shalt  }
0x5b: {  	_ =	shalt  }
0x5c: {  	_ =	shalt  }
0x5d: {  	_ =	shalt  }
0x5e: {  	_ =	shalt  }
0x5f: {  	_ =	shalt  }
0x60: {  	_ =	shalt  }
0x61: {  	_ =	shalt  }
0x62: {  	_ =	shalt  }
0x63: {  	_ =	shalt  }
0x64: {  	_ =	shalt  }
0x65: {  	_ =	shalt  }
0x66: {  	_ =	shalt  }
0x67: {  	_ =	shalt  }
0x68: {  	_ =	shalt  }
0x69: {  	_ =	shalt  }
0x6a: {  	_ =	shalt  }
0x6b: {  	_ =	shalt  }
0x6c: {  	_ =	shalt  }
0x6d: {  	_ =	shalt  }
0x6e: {  	_ =	shalt  }
0x6f: {  	_ =	shalt  }
0x70: {  	_ =	shalt  }
0x71: {  	_ =	shalt  }
0x72: {  	_ =	shalt  }
0x73: {  	_ =	shalt  }
0x74: {  	_ =	shalt  }
0x75: {  	_ =	shalt  }
0x76: {  	_ =	shalt  }
0x77: {  	_ =	shalt  }
0x78: {  	_ =	shalt  }
0x79: {  	_ =	shalt  }
0x7a: {  	_ =	shalt  }
0x7b: {  	_ =	shalt  }
0x7c: {  	_ =	shalt  }
0x7d: {  	_ =	shalt  }
0x7e: {  	_ =	shalt  }
0x7f: {  	_ =	shalt  }
0x80: {  	_ =	shalt  }
0x81: {  	_ =	shalt  }
0x82: {  	_ =	shalt  }
0x83: {  	_ =	shalt  }
0x84: {  	_ =	shalt  }
0x85: {  	_ =	shalt  }
0x86: {  	_ =	shalt  }
0x87: {  	_ =	shalt  }
.Lfunc_end0:
.L_simem_size_0:
called_computation_lowered:
.L_overlay_start_0:
0x88: {  	s0 =	sld [smem:$0x3FD9]  }
0x89: {  	s1 =	sld [smem:$0x3FFE];
	_ =	sdelay $0x3  }
0x8a: {  	s0 =	sadd.s32 s1, s0  }
0x8b: {  	[smem:$0x3FC6] =	sst s0  }
0x8c: {  	_ = 	snop  }
0x8d: {  	s0 =	sld [smem:$0x3FD0];
	_ =	sdelay $0x1  }
0x8e: {  	s14 =	sld [smem:$0x3FC9]  }
0x8f: {  	s3 =	simm.s32 $0xA;
	s4 =	simm.s32 $0x10;
	s2 =	sld [smem:$0x3FC8]  }
0x90: {  	[smem:s4], [sflag:s3] =	dma.local [hbm:s0], $0x1  }
0x91: {  	_ =	swait.eq [sflag:s3], $0x1  }
0x92: {  	[sflag:s3] =	ssyncset.done $0x0  }
0x93: {  	s15 =	sld [smem:$0x10];
	[sflag:s3] =	ssyncadd.s32 $0xFFFFFFFF  }
0x94: {  	s16 =	sld [smem:$0x11];
	(tm) =	ssettm $0x1  }
0x95: {  	s17 =	sld [smem:$0x3FFB];
	_ =	sdelay $0x3  }
0x96: {  	_ =	strace s17  }
0x97: {  	s4 =	sld [smem:$0x3FFC];
	_ =	sdelay $0x3  }
0x98: {  	_ =	strace s4  }
0x99: {  	s4 =	sld [smem:$0x3FFD];
	_ =	sdelay $0x3  }
0x9a: {  	_ =	strace s4  }
0x9b: {  	_ =	strace $0x8FFFFFFF  }
0x9c: {  	s18 =	sld [smem:$0x3FDB];
	_ =	sdelay $0x1  }
0x9d: {  	s5 =	simm.s32 $_scs_section_size  }
0x9e: {  	s6 =	simm.s32 $_size__tile_overlayer_lowered;
	s7 =	simm.s32 $_tile_overlayer_lowered  }
0x9f: {  	s21 =	simm.s32 $0x1BFF;
	s20 =	sshll.u32 s7, $0x1;
	s4 =	sadd.s32 s5, s18  }
0xa0: {  	s8 =	simm.s32 $0x0;
	s19 =	sshll.u32 s6, $0x1;
	s6 =	sadd.s32 s20, s4  }
0xa1: {  	[timem:s8], [sflag:s21] =	dma.local [hbm:s6], s19  }
0xa2: {  	_ =	swait.ge [sflag:s21], s19  }
0xa3: {  	s5 =	ssub.s32 $0x0, s19;
	[sflag:s21] =	ssyncset.done $0x0  }
0xa4: {  	[sflag:s21] =	ssyncadd.s32 s5;
	_ =	sdelay $0x1  }
0xa5: {  	s22 =	simm.s32 $0x1B8B  }
0xa6: {  	_ =	swait.ge [sflag:s22], $0x1  }
0xa7: {  	[sflag:s22] =	ssyncset.done $0x0  }
0xa8: {  	s23 =	simm.s32 $0x1B8E;
	[sflag:s22] =	ssyncadd.s32 $0xFFFFFFFF  }
0xa9: {  	s24 =	simm.s32 $execute0_lowered;
	[smem:$0x3FD2] =	sst s23  }
0xaa: {  	s5 =	sshll.u32 s24, $0x1;
	_ =	strace $0x80000046;
	[dreg:$0x1] =	wrdreg $0xFFFFFFFF  }
0xab: {  	s25 =	simm.s32 $_size_execute0_lowered;
	s4 =	sadd.s32 s4, s5;
	[dreg:$0x0] =	wrdreg $0x0  }
0xac: {  	s5 =	sshll.u32 s25, $0x1;
	[dreg:$0x2] =	wrdreg s4  }
0xad: {  	[dreg:$0x3] =	wrdreg s5  }
0xae: {  	[dreg:$0x4] =	wrdreg $0xC0  }
0xaf: {  	_ =	task [dreg:s8], $0x5FFFF  }
0xb0: {  	[dreg:$0x1] =	wrdreg $0xFFFFFFFF  }
0xb1: {  	[dreg:$0x0] =	wrdreg $0x60  }
0xb2: {  	[dreg:$0x2] =	wrdreg s14  }
0xb3: {  	[dreg:$0x3] =	wrdreg s2  }
0xb4: {  	[dreg:$0x4] =	wrdreg s15  }
0xb5: {  	[dreg:$0x5] =	wrdreg s16  }
0xb6: {  	[dreg:$0x6] =	wrdreg $0x9  }
0xb7: {  	_ =	task.clear_ibuf [dreg:s8], $0x7FFFF;
	_ =	strace $0x90000046  }
0xb8: {  	s26 =	simm.s32 $0x9;
	_ =	strace $0x80000048  }
0xb9: {  	_ =	swait.ge [sflag:s26], $0x1  }
0xba: {  	[sflag:s26] =	ssyncadd.s32 $0xFFFFFFFF  }
0xbb: {  	_ =	strace $0x90000048  }
0xbc: {  	_ =	sfence  }
0xbd: {  	s28 =	sld [smem:$0x0];
	_ =	sdelay $0x1  }
0xbe: {  	s29 =	srdreg.scid  }
0xbf: {  	s30 =	sshll.u32 s29, $0xD;
	s31 =	sshrl.u32 s29, $0x2  }
0xc0: {  	s1 =	sand.u32 $0x1, s29;
	s2 =	sand.u32 $0x4000, s30;
	s0 =	sadd.s32 s31, s28  }
0xc1: {  	s1 =	sor.u32 s2, s1;
	s0 =	sshll.u32 s0, $0x11  }
0xc2: {  	s0 =	sor.u32 s0, s1  }
0xc3: {  	s0 =	sadd.s32 $0x8F2B, s0  }
0xc4: {  	[sflag:s0] =	ssyncadd.remote.s32 $0x1  }
0xc5: {  	_ =	sfence.sel $0xFFFF  }
0xc6: {  	[dreg:$0x0] =	wrdreg $0xFFFFFFFF;
	(pc) =	sbr.abs _section_cstart, $3  }
0xc7: {  	[dreg:$0x1] =	wrdreg $0xFFFFFFFF  }
0xc8: {  	_ =	task.clear_ibuf [dreg:s8], $0x2FFFF;
	_ =	strace $0x9FFFFFFF  }
0xc9: {  	(tm) =	ssettm $0x7FFFFFFF  }
tec
execute0_lowered:
.L_overlay_start_1:
0x0: {  	(tag) =	ssettag $0x1  }
0x1: {  	s8 =	rddreg [dreg:$0x0]  }
0x2: {  	s1 =	rddreg [dreg:$0x1]  }
0x3: {  	s2 =	rddreg [dreg:$0x2]  }
0x4: {  	s4 =	rddreg [dreg:$0x3]  }
0x5: {  	s0 =	rddreg [dreg:$0x4];
	s9 =	simm.s32 $0x0  }
0x6: {  	[smem:$0x7FF] =	sst s9  }
0x7: {  	s3 =	simm.s32 $0x1080;
	s28 =	simm.s32 $0x3;
	_ =	strace $0x80000047  }
0x8: {  	[tilespmem:s3], [sflag:$0x3] =	stream.linear.gather [hbm4b:s1+s9], $0x11, $0x38;
	[tilespmem:$0x2100] =	vst v63  }
0x9: {  	_ =	swait.ge [sflag:s28], $0x11  }
0xa: {  	[sflag:s28] =	ssyncset.done $0x0  }
0xb: {  	s1 =	stileid.u32;
	[sflag:s28] =	ssyncadd.s32 $0xFFFFFFEF  }
0xc: {  	v0 =	vld [tilespmem:s1+$0x1080];
	_ =	sdelay $0x4  }
0xd: {  	(v2sf) =	vpush v0, $0x0;
	_ =	sdelay $0x6  }
0xe: {  	(v2sf) =	vpush v0, $0x1;
	_ =	sdelay $0x7  }
0xf: {  	s5 =	spop (v2sf)  }
0x10: {  	s3 =	sadd.s32 $0xFFFFFFFF, s5  }
0x11: {  	p0 =	sgt.s32 s3, $0x0  }
0x12: {  	p1 =	slt.s32 s3, $0x1;
	s3 =	simm.s32 @!p0 $0x0  }
0x13: {  	s6 =	sand.u32 $0xF, s3  }
0x14: {  	p6 =	sne.s32 s6, $0x0  }
0x15: {  	p0 =	por !p1, !p6  }
0x16: {  	s7 =	simm.s32 $0x1;
	s29 =	spop (v2sf);
	p0 =	por !p0, !p0  }
0x17: {  	s3 =	sshrl.u32 s3, $0x4;
	s6 =	ssub.s32 s29, s5;
	s7 =	simm.s32 @!p0 $0x0  }
0x18: {  	p1 =	slt.s32 s6, $0x7FE;
	s7 =	ssub.s32 s3, s7  }
0x19: {  	s6 =	simm.s32 @!p1 $0x7FE;
	p0 =	slt.s32 s7, $0x37F  }
0x1a: {  	v0 =	vlaneseq.u32;
	s3 =	sadd.s32 $0x2, s6;
	s7 =	simm.s32 @!p0 $0x37F  }
0x1b: {  	v0 =	vmul.u32 $0xFFFFFFFF, v0;
	s10 =	ssub.s32 s3, s9;
	s11 =	sshll.u32 s7, $0x1  }
0x1c: {  	v1 =	vimm.s32 $0x0;
	s12 =	sadd.s32 $0xFFFFFFF0, s10;
	s30 =	sadd.s32 $0xFFFFFFD0, s10;
	s11 =	sand.u32 $0x1FFFFFFE, s11  }
0x1d: {  	s31 =	simm.s32 $0x10;
	v3 =	vadd.s32 s10, v0;
	s10 =	sadd.s32 $0xFFFFFFE0, s10;
	v2 =	vadd.s32 s12, v0;
	v4 =	vadd.s32 s30, v0;
	s8 =	sadd.s32 s8, s11  }
0x1e: {  	v5 =	vadd.s32 s10, v0;
	vm3 =	vgt.s32 v3, $0x0;
	vm1 =	vgt.s32 v4, $0x0;
	[tilespmem:s31], [sflag:$0x1] =	stream.linear.gather [hbm4b:s8+s9], $0x810, $0x38;
	[tilespmem:$0x2100] =	vst v63  }
0x1f: {  	vm0 =	vgt.s32 v2, $0x0;
	vm2 =	vgt.s32 v5, $0x0;
	v5 =	vsel vm1, $0x1, v1;
	s8 =	simm.s32 $0x1920  }
0x20: {  	v2 =	vsel vm3, $0x1, v1;
	v4 =	vsel vm0, $0x1, v1;
	v3 =	vsel vm2, $0x1, v1;
	s9 =	simm.s32 $0x40;
	[tilespmem:s8+$0x10] =	vst v5  }
.LBB2_1:
0x21: {  	s10 =	ssub.s32 s3, s9  }
0x22: {  	p0 =	slt.u32 s9, $0x7C0;
	s9 =	sadd.s32 $0x40, s9;
	[tilespmem:s8+$0xFFFFFFF0] =	vst v4;
	s11 =	sadd.s32 $0xFFFFFFF0, s10  }
.Ltmp0:
0x23: {  	v4 =	vadd.s32 s10, v0;
	s12 =	sadd.s32 $0xFFFFFFE0, s10;
	s10 =	sadd.s32 $0xFFFFFFD0, s10;
	[tilespmem:s8+$0x0] =	vst v3;
	(pc) =	sbr.rel @p0 .LBB2_1-.Ltmp0, $4  }
0x24: {  	v3 =	vadd.s32 s11, v0;
	v5 =	vadd.s32 s12, v0;
	v6 =	vadd.s32 s10, v0;
	[tilespmem:s8+$0xFFFFFFE0] =	vst v2  }
0x25: {  	vm0 =	vgt.s32 v3, $0x0;
	vm1 =	vgt.s32 v5, $0x0;
	vm2 =	vgt.s32 v6, $0x0  }
0x26: {  	vm3 =	vgt.s32 v4, $0x0;
	s8 =	sadd.s32 $0x40, s8;
	v4 =	vsel vm0, $0x1, v1;
	v5 =	vsel vm2, $0x1, v1  }
0x27: {  	v2 =	vsel vm3, $0x1, v1;
	v3 =	vsel vm1, $0x1, v1;
	[tilespmem:s8+$0x10] =	vst v5  }
0x28: {  	s3 =	sshll.u32 s1, $0x8;
	s9 =	sshll.u32 s1, $0x4  }
0x29: {  	[tilespmem:s8+$0xFFFFFFF0] =	vst v4;
	s17 =	simm.s32 $0x80;
	s18 =	simm.s32 $0x400;
	s3 =	sor.u32 s9, s3  }
0x2a: {  	[tilespmem:s8+$0x0] =	vst v3;
	s10 =	simm.s32 $0x1900;
	s19 =	simm.s32 $0x1;
	s3 =	sand.u32 $0x870, s3  }
0x2b: {  	[tilespmem:s8+$0xFFFFFFE0] =	vst v2;
	s5 =	sshll.u32 s5, $0x2;
	s7 =	sshll.u32 s7, $0x6;
	s4 =	sadd.s32 s4, s3  }
0x2c: {  	[hbm4b:s4+s17] =	stream.strided.scatter [tilespmem:s10], [sflag:$0x2], $0x800, s18, s17, $0x38;
	[tilespmem:$0x2100] =	vst v63  }
0x2d: {  	s5 =	ssub.s32 s5, s7;
	_ =	swait.ge [sflag:s19], $0x810  }
0x2e: {  	s5 =	sadd.s32 $0xBC, s5;
	[sflag:s19] =	ssyncset.done $0x0  }
0x2f: {  	s5 =	sshra.s32 s5, $0x2;
	[sflag:s19] =	ssyncadd.s32 $0xFFFFF7F0  }
0x30: {  	s20 =	simm.s32 $0x0;
	v1 =	vlaneseq.u32;
	s4 =	sadd.s32 $0x1, s6;
	v3 =	vld [tilespmem:s5+$0xFFFFFFE0]  }
0x31: {  	v0 =	vmul.u32 $0xFFFFFFFF, v1;
	v4 =	vor.u32 s20, v1;
	v2 =	vmov s4;
	s21 =	ssub.s32 s4, s20  }
0x32: {  	s22 =	sadd.s32 $0xFFFFFFF0, s21;
	v6 =	vsub.s32 v2, v4;
	v7 =	vld [tilespmem:s5+$0x0]  }
0x33: {  	vm2 =	vlt.s32 v4, $0x1;
	s23 =	sadd.s32 $0xFFFFFFE0, s21;
	s24 =	sadd.s32 $0xFFFFFFD0, s21;
	v8 =	vadd.s32 s22, v0;
	vm0 =	vlt.s32 v4, v6;
	v5 =	vld [tilespmem:s5+$0xFFFFFFF0]  }
0x34: {  	v9 =	vadd.s32 s23, v0;
	v11 =	vadd.s32 s24, v0;
	v10 =	vld [tilespmem:s5+$0x10];
	v6 =	vsel vm0, v4, v6  }
0x35: {  	vm0 =	vgt.s32 v8, $0x0;
	vm1 =	vgt.s32 v6, $0x0;
	v3 =	vadd.s32 $0xFFFF3F01, v3  }
0x36: {  	s25 =	simm.s32 $0x40;
	vm3 =	vgt.s32 v9, $0x0;
	v4 =	vnsel vm2, $0x1, v4;
	v3 =	vnsel vm1, $0x0, v3  }
0x37: {  	s26 =	sadd.s32 $0x40, s5;
	v3 =	vadd.s32 v4, v3;
	v4 =	vnsel vm3, $0xC0FF, v7;
	v7 =	vor.u32 s25, v1  }
0x38: {  	v6 =	vld [tilespmem:s26+$0xFFFFFFE0];
	v5 =	vnsel vm0, $0xC0FF, v5;
	vm0 =	vgt.s32 v11, $0x0;
	v62 =	vsub.s32 v2, v7  }
0x39: {  	s28 =	ssub.s32 s4, s25;
	v8 =	vld [tilespmem:s26+$0xFFFFFFF0];
	s5 =	simm.s32 $0x1120;
	v61 =	vnsel vm0, $0xC0FF, v10;
	v3 =	vadd.s32 $0xC0FE, v3;
	vm0 =	vlt.s32 v7, v62  }
0x3a: {  	s30 =	sadd.s32 $0xFFFFFFE0, s28;
	v12 =	vld [tilespmem:s26+$0x0];
	[tilespmem:s5+$0xFFFFFFE0] =	vst v3;
	v3 =	vsel vm0, v7, v62  }
0x3b: {  	s29 =	sadd.s32 $0xFFFFFFF0, s28;
	s31 =	sadd.s32 $0xFFFFFFD0, s28;
	v13 =	vadd.s32 s30, v0;
	vm2 =	vgt.s32 v3, $0x0;
	v3 =	vld [tilespmem:s26+$0x10]  }
0x3c: {  	v63 =	vadd.s32 s29, v0;
	v14 =	vadd.s32 s31, v0;
	vm1 =	vgt.s32 v13, $0x0  }
0x3d: {  	[tilespmem:s5+$0xFFFFFFF0] =	vst v5;
	v5 =	vadd.s32 $0xFFFF3F01, v6;
	vm3 =	vlt.s32 v7, $0x1;
	vm0 =	vgt.s32 v63, $0x0  }
0x3e: {  	s8 =	simm.s32 $0x80;
	s6 =	sadd.s32 $0x40, s26;
	[tilespmem:s5+$0x0] =	vst v4;
	v6 =	vnsel vm3, $0x1, v7;
	v4 =	vnsel vm0, $0xC0FF, v8;
	v7 =	vnsel vm2, $0x0, v5  }
0x3f: {  	s7 =	simm.s32 $0xC0;
	s9 =	ssub.s32 s4, s8;
	[tilespmem:s5+$0x10] =	vst v61;
	vm0 =	vgt.s32 v14, $0x0;
	v5 =	vld [tilespmem:s6+$0xFFFFFFE0];
	v7 =	vadd.s32 v6, v7;
	v6 =	vnsel vm1, $0xC0FF, v12  }
.LBB2_3:
0x40: {  	p0 =	slt.u32 s7, $0x7C0;
	v8 =	vor.u32 s8, v1;
	v9 =	vld [tilespmem:s6+$0xFFFFFFF0];
	s8 =	sadd.s32 $0xFFFFFFF0, s9;
	v7 =	vadd.s32 $0xC0FE, v7;
	v10 =	vnsel vm0, $0xC0FF, v3;
	s5 =	sadd.s32 $0x40, s5  }
0x41: {  	s10 =	sadd.s32 $0xFFFFFFE0, s9;
	s9 =	sadd.s32 $0xFFFFFFD0, s9;
	v11 =	vsub.s32 v2, v8;
	v12 =	vadd.s32 s8, v0;
	v13 =	vld [tilespmem:s6+$0x0];
	[tilespmem:s5+$0xFFFFFFE0] =	vst v7;
	s8 =	smov.u32 s7  }
.Ltmp1:
0x42: {  	v7 =	vadd.s32 s10, v0;
	v14 =	vadd.s32 s9, v0;
	vm0 =	vlt.s32 v8, v11;
	v3 =	vld [tilespmem:s6+$0x10];
	[tilespmem:s5+$0xFFFFFFF0] =	vst v4;
	(pc) =	sbr.rel @p0 .LBB2_3-.Ltmp1, $4  }
0x43: {  	vm1 =	vgt.s32 v7, $0x0;
	v4 =	vsel vm0, v8, v11;
	vm0 =	vgt.s32 v12, $0x0;
	[tilespmem:s5+$0x0] =	vst v6  }
0x44: {  	vm3 =	vlt.s32 v8, $0x1;
	vm2 =	vgt.s32 v4, $0x0;
	v4 =	vadd.s32 $0xFFFF3F01, v5;
	[tilespmem:s5+$0x10] =	vst v10  }
0x45: {  	s6 =	sadd.s32 $0x40, s6;
	v6 =	vnsel vm3, $0x1, v8;
	v7 =	vnsel vm2, $0x0, v4;
	v4 =	vnsel vm0, $0xC0FF, v9  }
0x46: {  	s7 =	sadd.s32 $0x40, s7;
	s9 =	ssub.s32 s4, s8;
	vm0 =	vgt.s32 v14, $0x0;
	v5 =	vld [tilespmem:s6+$0xFFFFFFE0];
	v7 =	vadd.s32 v6, v7;
	v6 =	vnsel vm1, $0xC0FF, v13  }
0x47: {  	v1 =	vor.u32 s8, v1;
	v8 =	vld [tilespmem:s6+$0xFFFFFFF0]  }
0x48: {  	v7 =	vadd.s32 $0xC0FE, v7;
	s4 =	sadd.s32 $0x40, s5;
	v9 =	vld [tilespmem:s6+$0x0];
	s23 =	sadd.s32 $0xFFFFFFF0, s9;
	v3 =	vnsel vm0, $0xC0FF, v3;
	s24 =	sadd.s32 $0xFFFFFFE0, s9;
	v2 =	vsub.s32 v2, v1  }
0x49: {  	v58 =	vld [tilespmem:s6+$0x10];
	s25 =	sadd.s32 $0xFFFFFFD0, s9;
	[tilespmem:s4+$0xFFFFFFE0] =	vst v7;
	vm2 =	vlt.s32 v1, $0x1;
	v59 =	vadd.s32 s23, v0;
	v60 =	vadd.s32 s24, v0  }
0x4a: {  	[tilespmem:s4+$0xFFFFFFF0] =	vst v4;
	v61 =	vadd.s32 s25, v0;
	vm1 =	vlt.s32 v1, v2;
	vm13 =	vgt.s32 v59, $0x0  }
0x4b: {  	[tilespmem:s4+$0x0] =	vst v6;
	vm14 =	vgt.s32 v60, $0x0;
	vm15 =	vgt.s32 v61, $0x0;
	v2 =	vsel vm1, v1, v2  }
0x4c: {  	[tilespmem:s4+$0x10] =	vst v3;
	s4 =	sadd.s32 $0x40, s4;
	vm1 =	vgt.s32 v2, $0x0;
	v57 =	vadd.s32 $0xFFFF3F01, v5;
	v62 =	vnsel vm13, $0xC0FF, v8  }
0x4d: {  	v1 =	vnsel vm2, $0x1, v1;
	v2 =	vnsel vm1, $0x0, v57;
	v63 =	vnsel vm14, $0xC0FF, v9;
	[tilespmem:s4+$0xFFFFFFF0] =	vst v62  }
0x4e: {  	v0 =	vnsel vm15, $0xC0FF, v58;
	v1 =	vadd.s32 v1, v2;
	[tilespmem:s4+$0x0] =	vst v63  }
0x4f: {  	s2 =	sadd.s32 s2, s3;
	s26 =	simm.s32 $0x80;
	[tilespmem:s4+$0x10] =	vst v0;
	v1 =	vadd.s32 $0xC0FE, v1  }
0x50: {  	s28 =	simm.s32 $0x400;
	s29 =	simm.s32 $0x1100;
	s30 =	simm.s32 $0x3;
	[tilespmem:s4+$0xFFFFFFE0] =	vst v1  }
0x51: {  	[hbm4b:s2+s26] =	stream.strided.scatter [tilespmem:s29], [sflag:$0x3], $0x800, s28, s26, $0x38;
	[tilespmem:$0x2100] =	vst v63  }
0x52: {  	_ =	swait.ge [sflag:s30], $0x800  }
0x53: {  	[sflag:s30] =	ssyncset.done $0x0  }
0x54: {  	s31 =	simm.s32 $0x2;
	[sflag:s30] =	ssyncadd.s32 $0xFFFFF800  }
0x55: {  	_ =	swait.ge [sflag:s31], $0x800  }
0x56: {  	[sflag:s31] =	ssyncset.done $0x0  }
0x57: {  	[sflag:s31] =	ssyncadd.s32 $0xFFFFF800  }
0x58: {  	_ =	sfence.sel $0x180000  }
0x59: {  	[bflag:$0x0] =	sbarrier.arrive $0xFFFF  }
0x5a: {  	p0 =	sne.s32 s1, $0x0;
	_ =	strace $0x90000047  }
0x5b: {  	s0 =	sadd.s32 @!p0 $0x100000, s0;
	[bflag:$0x2] =	sbarrier.arrive $0xFFFF  }
0x5c: {  	[sflag:s0] =	ssyncadd.tile.s32 @!p0 $0x1;
	_ =	shalt  }
.Lfunc_end2:
_tile_overlayer_lowered:
.L_overlay_start_2:
0x5d: {  	(tag) =	ssettag $0x2  }
0x5e: {  	s0 =	rddreg [dreg:$0x0];
	s2 =	stileid.u32  }
0x5f: {  	s1 =	rddreg [dreg:$0x1];
	p0 =	sne.s32 s2, $0x0  }
0x60: {  	s3 =	rddreg [dreg:$0x2];
	[bflag:$0x3] =	sbarrier.arrive $0xFFFF;
	s2 =	simm.s32 @!p0 $0x1C03  }
0x61: {  	[timem:s3], [sflag:s2] =	dma.local @!p0 [hbm:s0], s1  }
0x62: {  	s0 =	simm.s32 @!p0 $0x3  }
0x63: {  	_ =	swait.ge @!p0 [sflag:s0], s1  }
0x64: {  	s1 =	ssub.s32 @!p0 $0x0, s1;
	[sflag:s0] =	ssyncset.done @!p0 $0x0  }
0x65: {  	[sflag:s0] =	ssyncadd.s32 @!p0 s1  }
0x66: {  	[bflag:$0x3] =	sbarrier.arrive $0xFFFF  }
0x67: {  	_ =	shalt  }

</sc_bundles>
